<compile_context>
chip_gen: v7x
topology: tpu7x:2x2x1
jax: 0.10.2.dev20260603
libtpu: 0.0.44.dev20260713+nightly
codegen_flags: <defaults>
</compile_context>

<pallas_src>
import functools

import jax
import jax.numpy as jnp
from jax import lax
from jax.experimental import pallas as pl
from jax.experimental.pallas import tpu as pltpu
from jax.experimental.pallas import tpu_sc as plsc

_GBLOCK = 120
_GPW = 1
_WBLOCK = _GPW * _GBLOCK
_NBUF = 2


@functools.lru_cache(maxsize=None)
def _build(n_nodes: int, n_vocab: int, dim: int):
    info = plsc.get_sparse_core_info()
    nc, ns = info.num_cores, info.num_subcores
    nw = nc * ns

    npw = n_nodes // (nw * _WBLOCK)
    span = npw * _WBLOCK
    tail = n_nodes - nw * span
    assert span % 8 == 0 and tail % 8 == 0
    tail_sub = 8
    n_tail_workers = tail // tail_sub if tail else 0
    assert n_tail_workers <= nw and (tail == 0 or tail % tail_sub == 0)

    mesh = plsc.VectorSubcoreMesh(core_axis_name="c", subcore_axis_name="s")

    @functools.partial(
        pl.kernel,
        out_type=jax.ShapeDtypeStruct((n_nodes, dim), jnp.float32),
        mesh=mesh,
        scratch_types=[
            pltpu.VMEM_SHARED((n_vocab, dim), jnp.float32),
            pltpu.VMEM((span,), jnp.int32),
            pltpu.VMEM((_NBUF, _WBLOCK, dim), jnp.float32),
            pltpu.VMEM((tail_sub,), jnp.int32),
            pltpu.VMEM((tail_sub, dim), jnp.float32),
            pltpu.SemaphoreType.DMA,
            pltpu.SemaphoreType.DMA,
            pltpu.SemaphoreType.DMA,
            pltpu.SemaphoreType.DMA,
        ],
    )
    def emb_kernel(x_hbm, w_hbm, out_hbm, table_s, idx_v, rows_v, tidx_v,
                   trow_v, sem_g, sem_w0, sem_w1, sem_tw):
        sid = lax.axis_index("s")
        wid = sid * nc + lax.axis_index("c")
        base = wid * span

        @pl.when(sid == 0)
        def _():
            pltpu.sync_copy(w_hbm, table_s)

        idx_dma = pltpu.make_async_copy(x_hbm.at[pl.ds(base, span)], idx_v,
                                        sem_tw)
        idx_dma.start()
        if tail:
            @pl.when(wid >= nw - n_tail_workers)
            def _():
                k = wid - (nw - n_tail_workers)
                tbase = nw * span + k * tail_sub
                pltpu.sync_copy(x_hbm.at[pl.ds(tbase, tail_sub)], tidx_v)

        plsc.subcore_barrier()
        idx_dma.wait()

        w_sems = (sem_w0, sem_w1)

        def out_slot(u):
            return out_hbm.at[pl.ds(base + u * _WBLOCK, _WBLOCK)]

        def gather_into(u, b):
            for g in range(_GPW):
                pltpu.async_copy(
                    table_s.at[idx_v.at[pl.ds(u * _WBLOCK + g * _GBLOCK,
                                              _GBLOCK)]],
                    rows_v.at[b, pl.ds(g * _GBLOCK, _GBLOCK)],
                    sem_g).wait()

        def loop_body(p, carry):
            for b in range(_NBUF):
                u = p * _NBUF + b

                @pl.when(p >= 1)
                def _():
                    pltpu.make_async_copy(rows_v.at[b], out_slot(u),
                                          w_sems[b]).wait()

                gather_into(u, b)
                pltpu.async_copy(rows_v.at[b], out_slot(u), w_sems[b])
            return carry

        nloop = (npw // _NBUF) * _NBUF
        lax.fori_loop(0, npw // _NBUF, loop_body, 0)

        for r in range(npw - nloop):
            u = nloop + r
            pltpu.make_async_copy(rows_v.at[r], out_slot(u),
                                  w_sems[r]).wait()
            gather_into(u, r)
            pltpu.async_copy(rows_v.at[r], out_slot(u), w_sems[r])

        if tail:
            @pl.when(wid >= nw - n_tail_workers)
            def _():
                k = wid - (nw - n_tail_workers)
                tbase = nw * span + k * tail_sub
                pltpu.async_copy(table_s.at[tidx_v], trow_v, sem_g).wait()
                pltpu.async_copy(trow_v, out_hbm.at[pl.ds(tbase, tail_sub)],
                                 sem_tw)

        nrem = npw - nloop
        last = [nloop + r for r in range(nrem)] + \
               [nloop - _NBUF + b for b in range(nrem, _NBUF)]
        for b in range(_NBUF):
            pltpu.make_async_copy(rows_v.at[b], out_slot(last[b]),
                                  w_sems[b]).wait()
        if tail:
            @pl.when(wid >= nw - n_tail_workers)
            def _():
                k = wid - (nw - n_tail_workers)
                tbase = nw * span + k * tail_sub
                pltpu.make_async_copy(trow_v,
                                      out_hbm.at[pl.ds(tbase, tail_sub)],
                                      sem_tw).wait()

    return emb_kernel


def kernel(x, weight):
    n_nodes = x.shape[0]
    n_vocab, dim = weight.shape
    emb = _build(n_nodes, n_vocab, dim)
    return emb(x.astype(jnp.int32), weight)

# --- scband reference (transcript-rebuilt; emitter-appended) ---
"""Pipeline reference for scband-atom-encoder-20426864459954 (READ-ONLY COPY).

The authoritative reference and input builder live on the scoring server;
editing this copy changes nothing except your own understanding.
"""

import jax, jax.numpy as jnp
import numpy as np

NUM_EMBEDDINGS = 21
EMBEDDING_DIM = 128
N_NODES = 100000

def _xavier_uniform(key, shape):
    fan_in, fan_out = shape[0], shape[1]
    limit = float(np.sqrt(6.0 / (fan_in + fan_out)))
    return jax.random.uniform(key, shape, dtype=jnp.float32, minval=-limit, maxval=limit)

def setup_inputs(seed: int = 0) -> dict:
    key = jax.random.key(seed)
    k_idx, k_w = jax.random.split(key)
    x = jax.random.randint(k_idx, (N_NODES,), 0, NUM_EMBEDDINGS, dtype=jnp.int64 if jax.config.jax_enable_x64 else jnp.int32)
    weight = _xavier_uniform(k_w, (NUM_EMBEDDINGS, EMBEDDING_DIM))
    return {"x": x, "weight": weight}

def reference(x, weight):
    # AtomEncoder.forward: self.embedding(data.x)
    return jnp.take(weight, x, axis=0)

if __name__ == "__main__":
    import jax
    _d = setup_inputs()
    print(jax.jit(kernel)(*tuple(_d.values())))

</pallas_src>

<mosaic_0001>
#map = affine_map<(d0, d1) -> (0)>
#map1 = affine_map<(d0, d1) -> (0, 0)>
module attributes {stable_mosaic.version = 14 : i64} {
  func.func @emb_kernel(%arg0: i32, %arg1: i32, %arg2: memref<100000xi32, #tpu.memory_space<hbm>>, %arg3: memref<21x128xf32, #tpu.memory_space<hbm>>, %arg4: memref<100000x128xf32, #tpu.memory_space<hbm>>, %arg5: memref<21x128xf32, #tpu.memory_space<vmem_shared>>, %arg6: memref<3120xi32, #tpu.memory_space<vmem>>, %arg7: memref<2x120x128xf32, #tpu.memory_space<vmem>>, %arg8: memref<8xi32, #tpu.memory_space<vmem>>, %arg9: memref<8x128xf32, #tpu.memory_space<vmem>>, %arg10: memref<!tpu.dma_semaphore, #tpu.memory_space<semaphore_mem>>, %arg11: memref<!tpu.dma_semaphore, #tpu.memory_space<semaphore_mem>>, %arg12: memref<!tpu.dma_semaphore, #tpu.memory_space<semaphore_mem>>, %arg13: memref<!tpu.dma_semaphore, #tpu.memory_space<semaphore_mem>>) attributes {dimension_semantics = [#tpu.dimension_semantics<core_parallel>, #tpu.dimension_semantics<subcore_parallel>], iteration_bounds = array<i64: 2, 16>, scalar_prefetch = 0 : i64, scratch_operands = 9 : i64, tpu.core_type = #tpu.core_type<sc_vector_subcore>, window_params = [{transform_indices = #map}, {transform_indices = #map1}, {transform_indices = #map1}]} {
    %mul3A = arith.constant 2 : i32
    %mul3A_0 = arith.muli %arg1, %mul3A : i32
    %add3A = arith.addi %mul3A_0, %arg0 : i32
    %mul3A_1 = arith.constant 3120 : i32
    %mul3A_2 = arith.muli %add3A, %mul3A_1 : i32
    %eq3A = arith.constant 0 : i32
    %eq3A_3 = arith.cmpi eq, %arg1, %eq3A : i32
    %convert_element_type3A = arith.extui %eq3A_3 : i1 to i32
    %cond3A = arith.constant 0 : i32
    %cond3A_4 = arith.cmpi ne, %convert_element_type3A, %cond3A : i32
    scf.if %cond3A_4 {
      "tpu.region"() ({
        %run_scoped3A = tpu.sem_alloc : memref<!tpu.dma_semaphore, #tpu.memory_space<semaphore_mem>>
        tpu.enqueue_dma source(%arg3 : memref<21x128xf32, #tpu.memory_space<hbm>>) target(%arg5 : memref<21x128xf32, #tpu.memory_space<vmem_shared>>) target_semaphore(%run_scoped3A : memref<!tpu.dma_semaphore, #tpu.memory_space<semaphore_mem>>)
        tpu.wait_dma2 semaphore(%run_scoped3A : memref<!tpu.dma_semaphore, #tpu.memory_space<semaphore_mem>>) src(%arg3 : memref<21x128xf32, #tpu.memory_space<hbm>>) dst(%arg5 : memref<21x128xf32, #tpu.memory_space<vmem_shared>>)
        tpu.yield
      }) : () -> ()
    } else {
    }
    %dma_start3A = tpu.memref_slice %arg2[%mul3A_2] : memref<100000xi32, #tpu.memory_space<hbm>> -> memref<3120xi32, #tpu.memory_space<hbm>>
    %dma_start3A_5 = tpu.memref_slice %arg2[%mul3A_2] : memref<100000xi32, #tpu.memory_space<hbm>> -> memref<3120xi32, #tpu.memory_space<hbm>>
    tpu.enqueue_dma source(%dma_start3A_5 : memref<3120xi32, #tpu.memory_space<hbm>>) target(%arg6 : memref<3120xi32, #tpu.memory_space<vmem>>) target_semaphore(%arg13 : memref<!tpu.dma_semaphore, #tpu.memory_space<semaphore_mem>>)
    %ge3A = arith.constant 12 : i32
    %ge3A_6 = arith.cmpi sge, %add3A, %ge3A : i32
    %convert_element_type3A_7 = arith.extui %ge3A_6 : i1 to i32
    %cond3A_8 = arith.constant 0 : i32
    %cond3A_9 = arith.cmpi ne, %convert_element_type3A_7, %cond3A_8 : i32
    scf.if %cond3A_9 {
      %sub3A = arith.constant 12 : i32
      %sub3A_56 = arith.subi %add3A, %sub3A : i32
      %mul3A_57 = arith.constant 8 : i32
      %mul3A_58 = arith.muli %sub3A_56, %mul3A_57 : i32
      %add3A_59 = arith.constant 99840 : i32
      %add3A_60 = arith.addi %add3A_59, %mul3A_58 : i32
      "tpu.region"() ({
        %run_scoped3A = tpu.sem_alloc : memref<!tpu.dma_semaphore, #tpu.memory_space<semaphore_mem>>
        %dma_start3A_61 = tpu.memref_slice %arg2[%add3A_60] : memref<100000xi32, #tpu.memory_space<hbm>> -> memref<8xi32, #tpu.memory_space<hbm>>
        %dma_start3A_62 = tpu.memref_slice %arg2[%add3A_60] : memref<100000xi32, #tpu.memory_space<hbm>> -> memref<8xi32, #tpu.memory_space<hbm>>
        tpu.enqueue_dma source(%dma_start3A_62 : memref<8xi32, #tpu.memory_space<hbm>>) target(%arg8 : memref<8xi32, #tpu.memory_space<vmem>>) target_semaphore(%run_scoped3A : memref<!tpu.dma_semaphore, #tpu.memory_space<semaphore_mem>>)
        %dma_wait3A_63 = tpu.memref_slice %arg2[%add3A_60] : memref<100000xi32, #tpu.memory_space<hbm>> -> memref<8xi32, #tpu.memory_space<hbm>>
        %dma_wait3A_64 = tpu.memref_slice %arg2[%add3A_60] : memref<100000xi32, #tpu.memory_space<hbm>> -> memref<8xi32, #tpu.memory_space<hbm>>
        tpu.wait_dma2 semaphore(%run_scoped3A : memref<!tpu.dma_semaphore, #tpu.memory_space<semaphore_mem>>) src(%dma_wait3A_64 : memref<8xi32, #tpu.memory_space<hbm>>) dst(%arg8 : memref<8xi32, #tpu.memory_space<vmem>>)
        tpu.yield
      }) : () -> ()
    } else {
    }
    %barrier3A = arith.constant 0 : index
    tpu.barrier barrier_id(%barrier3A)
    %dma_wait3A = tpu.memref_slice %arg2[%mul3A_2] : memref<100000xi32, #tpu.memory_space<hbm>> -> memref<3120xi32, #tpu.memory_space<hbm>>
    %dma_wait3A_10 = tpu.memref_slice %arg2[%mul3A_2] : memref<100000xi32, #tpu.memory_space<hbm>> -> memref<3120xi32, #tpu.memory_space<hbm>>
    tpu.wait_dma2 semaphore(%arg13 : memref<!tpu.dma_semaphore, #tpu.memory_space<semaphore_mem>>) src(%dma_wait3A_10 : memref<3120xi32, #tpu.memory_space<hbm>>) dst(%arg6 : memref<3120xi32, #tpu.memory_space<vmem>>)
    %scan3A = arith.constant 0 : i32
    %scan3A_11 = arith.constant 0 : i32
    %scan3A_12 = arith.constant 13 : i32
    %scan3A_13 = arith.addi %scan3A_11, %scan3A_12 : i32
    %scan3A_14 = arith.constant 1 : i32
    scf.for %scan3A_56 = %scan3A_11 to %scan3A_13 step %scan3A_14  : i32 {
      %mul3A_57 = arith.constant 2 : i32
      %mul3A_58 = arith.muli %scan3A_56, %mul3A_57 : i32
      %add3A_59 = arith.constant 0 : i32
      %add3A_60 = arith.addi %mul3A_58, %add3A_59 : i32
      %ge3A_61 = arith.constant 1 : i32
      %ge3A_62 = arith.cmpi sge, %scan3A_56, %ge3A_61 : i32
      %convert_element_type3A_63 = arith.extui %ge3A_62 : i1 to i32
      %cond3A_64 = arith.constant 0 : i32
      %cond3A_65 = arith.cmpi ne, %convert_element_type3A_63, %cond3A_64 : i32
      scf.if %cond3A_65 {
        %mul3A_151 = arith.constant 120 : i32
        %mul3A_152 = arith.muli %add3A_60, %mul3A_151 : i32
        %add3A_153 = arith.addi %mul3A_2, %mul3A_152 : i32
        %dma_wait3A_154 = arith.constant 0 : i32
        %dma_wait3A_155 = arith.constant 0 : i32
        %dma_wait3A_156 = arith.constant 0 : i32
        %dma_wait3A_157 = tpu.memref_slice %arg7[%dma_wait3A_154, %dma_wait3A_155, %dma_wait3A_156] : memref<2x120x128xf32, #tpu.memory_space<vmem>> -> memref<1x120x128xf32, #tpu.memory_space<vmem>>
        %dma_wait3A_158 = tpu.memref_squeeze %dma_wait3A_157 : memref<1x120x128xf32, #tpu.memory_space<vmem>> -> memref<120x128xf32, #tpu.memory_space<vmem>>
        %dma_wait3A_159 = arith.constant 0 : i32
        %dma_wait3A_160 = tpu.memref_slice %arg4[%add3A_153, %dma_wait3A_159] : memref<100000x128xf32, #tpu.memory_space<hbm>> -> memref<120x128xf32, #tpu.memory_space<hbm>>
        %dma_wait3A_161 = arith.constant 0 : i32
        %dma_wait3A_162 = tpu.memref_slice %arg4[%add3A_153, %dma_wait3A_161] : memref<100000x128xf32, #tpu.memory_space<hbm>> -> memref<120x128xf32, #tpu.memory_space<hbm>>
        %dma_wait3A_163 = arith.constant 0 : i32
        %dma_wait3A_164 = arith.constant 0 : i32
        %dma_wait3A_165 = tpu.memref_slice %arg7[%dma_wait3A_154, %dma_wait3A_163, %dma_wait3A_164] : memref<2x120x128xf32, #tpu.memory_space<vmem>> -> memref<1x120x128xf32, #tpu.memory_space<vmem>>
        %dma_wait3A_166 = tpu.memref_squeeze %dma_wait3A_165 : memref<1x120x128xf32, #tpu.memory_space<vmem>> -> memref<120x128xf32, #tpu.memory_space<vmem>>
        tpu.wait_dma2 semaphore(%arg11 : memref<!tpu.dma_semaphore, #tpu.memory_space<semaphore_mem>>) src(%dma_wait3A_166 : memref<120x128xf32, #tpu.memory_space<vmem>>) dst(%dma_wait3A_162 : memref<120x128xf32, #tpu.memory_space<hbm>>)
      } else {
      }
      %mul3A_66 = arith.constant 120 : i32
      %mul3A_67 = arith.muli %add3A_60, %mul3A_66 : i32
      %add3A_68 = arith.constant 0 : i32
      %add3A_69 = arith.addi %mul3A_67, %add3A_68 : i32
      %dma_start3A_70 = arith.constant 0 : i32
      %dma_start3A_71 = arith.constant 0 : i32
      %dma_start3A_72 = arith.constant 0 : i32
      %dma_start3A_73 = tpu.memref_slice %arg7[%dma_start3A_70, %dma_start3A_71, %dma_start3A_72] : memref<2x120x128xf32, #tpu.memory_space<vmem>> -> memref<1x120x128xf32, #tpu.memory_space<vmem>>
      %dma_start3A_74 = tpu.memref_squeeze %dma_start3A_73 : memref<1x120x128xf32, #tpu.memory_space<vmem>> -> memref<120x128xf32, #tpu.memory_space<vmem>>
      %dma_start3A_75 = tpu.memref_slice %arg6[%add3A_69] : memref<3120xi32, #tpu.memory_space<vmem>> -> memref<120xi32, #tpu.memory_space<vmem>>
      %dma_start3A_76 = arith.constant 0 : i32
      %dma_start3A_77 = arith.constant 0 : i32
      %dma_start3A_78 = tpu.memref_slice %arg5[%dma_start3A_76, %dma_start3A_77] : memref<21x128xf32, #tpu.memory_space<vmem_shared>> -> memref<21x128xf32, #tpu.memory_space<vmem_shared>>
      tpu.enqueue_indirect_dma source(%dma_start3A_78 : memref<21x128xf32, #tpu.memory_space<vmem_shared>>) target(%dma_start3A_74 : memref<120x128xf32, #tpu.memory_space<vmem>>) offsets(%dma_start3A_75 : memref<120xi32, #tpu.memory_space<vmem>>) semaphore(%arg10 : memref<!tpu.dma_semaphore, #tpu.memory_space<semaphore_mem>>)
      %dma_wait3A_79 = arith.constant 0 : i32
      %dma_wait3A_80 = arith.constant 0 : i32
      %dma_wait3A_81 = arith.constant 0 : i32
      %dma_wait3A_82 = tpu.memref_slice %arg7[%dma_wait3A_79, %dma_wait3A_80, %dma_wait3A_81] : memref<2x120x128xf32, #tpu.memory_space<vmem>> -> memref<1x120x128xf32, #tpu.memory_space<vmem>>
      %dma_wait3A_83 = tpu.memref_squeeze %dma_wait3A_82 : memref<1x120x128xf32, #tpu.memory_space<vmem>> -> memref<120x128xf32, #tpu.memory_space<vmem>>
      %dma_wait3A_84 = tpu.memref_slice %arg6[%add3A_69] : memref<3120xi32, #tpu.memory_space<vmem>> -> memref<120xi32, #tpu.memory_space<vmem>>
      %dma_wait3A_85 = arith.constant 0 : i32
      %dma_wait3A_86 = arith.constant 0 : i32
      %dma_wait3A_87 = tpu.memref_slice %arg5[%dma_wait3A_85, %dma_wait3A_86] : memref<21x128xf32, #tpu.memory_space<vmem_shared>> -> memref<21x128xf32, #tpu.memory_space<vmem_shared>>
      tpu.wait_indirect_dma semaphore(%arg10 : memref<!tpu.dma_semaphore, #tpu.memory_space<semaphore_mem>>) src(%dma_wait3A_87 : memref<21x128xf32, #tpu.memory_space<vmem_shared>>) dst(%dma_wait3A_83 : memref<120x128xf32, #tpu.memory_space<vmem>>)
      %mul3A_88 = arith.constant 120 : i32
      %mul3A_89 = arith.muli %add3A_60, %mul3A_88 : i32
      %add3A_90 = arith.addi %mul3A_2, %mul3A_89 : i32
      %dma_start3A_91 = arith.constant 0 : i32
      %dma_start3A_92 = arith.constant 0 : i32
      %dma_start3A_93 = arith.constant 0 : i32
      %dma_start3A_94 = tpu.memref_slice %arg7[%dma_start3A_91, %dma_start3A_92, %dma_start3A_93] : memref<2x120x128xf32, #tpu.memory_space<vmem>> -> memref<1x120x128xf32, #tpu.memory_space<vmem>>
      %dma_start3A_95 = tpu.memref_squeeze %dma_start3A_94 : memref<1x120x128xf32, #tpu.memory_space<vmem>> -> memref<120x128xf32, #tpu.memory_space<vmem>>
      %dma_start3A_96 = arith.constant 0 : i32
      %dma_start3A_97 = tpu.memref_slice %arg4[%add3A_90, %dma_start3A_96] : memref<100000x128xf32, #tpu.memory_space<hbm>> -> memref<120x128xf32, #tpu.memory_space<hbm>>
      %dma_start3A_98 = arith.constant 0 : i32
      %dma_start3A_99 = tpu.memref_slice %arg4[%add3A_90, %dma_start3A_98] : memref<100000x128xf32, #tpu.memory_space<hbm>> -> memref<120x128xf32, #tpu.memory_space<hbm>>
      %dma_start3A_100 = arith.constant 0 : i32
      %dma_start3A_101 = arith.constant 0 : i32
      %dma_start3A_102 = tpu.memref_slice %arg7[%dma_start3A_91, %dma_start3A_100, %dma_start3A_101] : memref<2x120x128xf32, #tpu.memory_space<vmem>> -> memref<1x120x128xf32, #tpu.memory_space<vmem>>
      %dma_start3A_103 = tpu.memref_squeeze %dma_start3A_102 : memref<1x120x128xf32, #tpu.memory_space<vmem>> -> memref<120x128xf32, #tpu.memory_space<vmem>>
      tpu.enqueue_dma source(%dma_start3A_103 : memref<120x128xf32, #tpu.memory_space<vmem>>) target(%dma_start3A_99 : memref<120x128xf32, #tpu.memory_space<hbm>>) target_semaphore(%arg11 : memref<!tpu.dma_semaphore, #tpu.memory_space<semaphore_mem>>)
      %mul3A_104 = arith.constant 2 : i32
      %mul3A_105 = arith.muli %scan3A_56, %mul3A_104 : i32
      %add3A_106 = arith.constant 1 : i32
      %add3A_107 = arith.addi %mul3A_105, %add3A_106 : i32
      %ge3A_108 = arith.constant 1 : i32
      %ge3A_109 = arith.cmpi sge, %scan3A_56, %ge3A_108 : i32
      %convert_element_type3A_110 = arith.extui %ge3A_109 : i1 to i32
      %cond3A_111 = arith.constant 0 : i32
      %cond3A_112 = arith.cmpi ne, %convert_element_type3A_110, %cond3A_111 : i32
      scf.if %cond3A_112 {
        %mul3A_151 = arith.constant 120 : i32
        %mul3A_152 = arith.muli %add3A_107, %mul3A_151 : i32
        %add3A_153 = arith.addi %mul3A_2, %mul3A_152 : i32
        %dma_wait3A_154 = arith.constant 1 : i32
        %dma_wait3A_155 = arith.constant 0 : i32
        %dma_wait3A_156 = arith.constant 0 : i32
        %dma_wait3A_157 = tpu.memref_slice %arg7[%dma_wait3A_154, %dma_wait3A_155, %dma_wait3A_156] : memref<2x120x128xf32, #tpu.memory_space<vmem>> -> memref<1x120x128xf32, #tpu.memory_space<vmem>>
        %dma_wait3A_158 = tpu.memref_squeeze %dma_wait3A_157 : memref<1x120x128xf32, #tpu.memory_space<vmem>> -> memref<120x128xf32, #tpu.memory_space<vmem>>
        %dma_wait3A_159 = arith.constant 0 : i32
        %dma_wait3A_160 = tpu.memref_slice %arg4[%add3A_153, %dma_wait3A_159] : memref<100000x128xf32, #tpu.memory_space<hbm>> -> memref<120x128xf32, #tpu.memory_space<hbm>>
        %dma_wait3A_161 = arith.constant 0 : i32
        %dma_wait3A_162 = tpu.memref_slice %arg4[%add3A_153, %dma_wait3A_161] : memref<100000x128xf32, #tpu.memory_space<hbm>> -> memref<120x128xf32, #tpu.memory_space<hbm>>
        %dma_wait3A_163 = arith.constant 0 : i32
        %dma_wait3A_164 = arith.constant 0 : i32
        %dma_wait3A_165 = tpu.memref_slice %arg7[%dma_wait3A_154, %dma_wait3A_163, %dma_wait3A_164] : memref<2x120x128xf32, #tpu.memory_space<vmem>> -> memref<1x120x128xf32, #tpu.memory_space<vmem>>
        %dma_wait3A_166 = tpu.memref_squeeze %dma_wait3A_165 : memref<1x120x128xf32, #tpu.memory_space<vmem>> -> memref<120x128xf32, #tpu.memory_space<vmem>>
        tpu.wait_dma2 semaphore(%arg12 : memref<!tpu.dma_semaphore, #tpu.memory_space<semaphore_mem>>) src(%dma_wait3A_166 : memref<120x128xf32, #tpu.memory_space<vmem>>) dst(%dma_wait3A_162 : memref<120x128xf32, #tpu.memory_space<hbm>>)
      } else {
      }
      %mul3A_113 = arith.constant 120 : i32
      %mul3A_114 = arith.muli %add3A_107, %mul3A_113 : i32
      %add3A_115 = arith.constant 0 : i32
      %add3A_116 = arith.addi %mul3A_114, %add3A_115 : i32
      %dma_start3A_117 = arith.constant 1 : i32
      %dma_start3A_118 = arith.constant 0 : i32
      %dma_start3A_119 = arith.constant 0 : i32
      %dma_start3A_120 = tpu.memref_slice %arg7[%dma_start3A_117, %dma_start3A_118, %dma_start3A_119] : memref<2x120x128xf32, #tpu.memory_space<vmem>> -> memref<1x120x128xf32, #tpu.memory_space<vmem>>
      %dma_start3A_121 = tpu.memref_squeeze %dma_start3A_120 : memref<1x120x128xf32, #tpu.memory_space<vmem>> -> memref<120x128xf32, #tpu.memory_space<vmem>>
      %dma_start3A_122 = tpu.memref_slice %arg6[%add3A_116] : memref<3120xi32, #tpu.memory_space<vmem>> -> memref<120xi32, #tpu.memory_space<vmem>>
      %dma_start3A_123 = arith.constant 0 : i32
      %dma_start3A_124 = arith.constant 0 : i32
      %dma_start3A_125 = tpu.memref_slice %arg5[%dma_start3A_123, %dma_start3A_124] : memref<21x128xf32, #tpu.memory_space<vmem_shared>> -> memref<21x128xf32, #tpu.memory_space<vmem_shared>>
      tpu.enqueue_indirect_dma source(%dma_start3A_125 : memref<21x128xf32, #tpu.memory_space<vmem_shared>>) target(%dma_start3A_121 : memref<120x128xf32, #tpu.memory_space<vmem>>) offsets(%dma_start3A_122 : memref<120xi32, #tpu.memory_space<vmem>>) semaphore(%arg10 : memref<!tpu.dma_semaphore, #tpu.memory_space<semaphore_mem>>)
      %dma_wait3A_126 = arith.constant 1 : i32
      %dma_wait3A_127 = arith.constant 0 : i32
      %dma_wait3A_128 = arith.constant 0 : i32
      %dma_wait3A_129 = tpu.memref_slice %arg7[%dma_wait3A_126, %dma_wait3A_127, %dma_wait3A_128] : memref<2x120x128xf32, #tpu.memory_space<vmem>> -> memref<1x120x128xf32, #tpu.memory_space<vmem>>
      %dma_wait3A_130 = tpu.memref_squeeze %dma_wait3A_129 : memref<1x120x128xf32, #tpu.memory_space<vmem>> -> memref<120x128xf32, #tpu.memory_space<vmem>>
      %dma_wait3A_131 = tpu.memref_slice %arg6[%add3A_116] : memref<3120xi32, #tpu.memory_space<vmem>> -> memref<120xi32, #tpu.memory_space<vmem>>
      %dma_wait3A_132 = arith.constant 0 : i32
      %dma_wait3A_133 = arith.constant 0 : i32
      %dma_wait3A_134 = tpu.memref_slice %arg5[%dma_wait3A_132, %dma_wait3A_133] : memref<21x128xf32, #tpu.memory_space<vmem_shared>> -> memref<21x128xf32, #tpu.memory_space<vmem_shared>>
      tpu.wait_indirect_dma semaphore(%arg10 : memref<!tpu.dma_semaphore, #tpu.memory_space<semaphore_mem>>) src(%dma_wait3A_134 : memref<21x128xf32, #tpu.memory_space<vmem_shared>>) dst(%dma_wait3A_130 : memref<120x128xf32, #tpu.memory_space<vmem>>)
      %mul3A_135 = arith.constant 120 : i32
      %mul3A_136 = arith.muli %add3A_107, %mul3A_135 : i32
      %add3A_137 = arith.addi %mul3A_2, %mul3A_136 : i32
      %dma_start3A_138 = arith.constant 1 : i32
      %dma_start3A_139 = arith.constant 0 : i32
      %dma_start3A_140 = arith.constant 0 : i32
      %dma_start3A_141 = tpu.memref_slice %arg7[%dma_start3A_138, %dma_start3A_139, %dma_start3A_140] : memref<2x120x128xf32, #tpu.memory_space<vmem>> -> memref<1x120x128xf32, #tpu.memory_space<vmem>>
      %dma_start3A_142 = tpu.memref_squeeze %dma_start3A_141 : memref<1x120x128xf32, #tpu.memory_space<vmem>> -> memref<120x128xf32, #tpu.memory_space<vmem>>
      %dma_start3A_143 = arith.constant 0 : i32
      %dma_start3A_144 = tpu.memref_slice %arg4[%add3A_137, %dma_start3A_143] : memref<100000x128xf32, #tpu.memory_space<hbm>> -> memref<120x128xf32, #tpu.memory_space<hbm>>
      %dma_start3A_145 = arith.constant 0 : i32
      %dma_start3A_146 = tpu.memref_slice %arg4[%add3A_137, %dma_start3A_145] : memref<100000x128xf32, #tpu.memory_space<hbm>> -> memref<120x128xf32, #tpu.memory_space<hbm>>
      %dma_start3A_147 = arith.constant 0 : i32
      %dma_start3A_148 = arith.constant 0 : i32
      %dma_start3A_149 = tpu.memref_slice %arg7[%dma_start3A_138, %dma_start3A_147, %dma_start3A_148] : memref<2x120x128xf32, #tpu.memory_space<vmem>> -> memref<1x120x128xf32, #tpu.memory_space<vmem>>
      %dma_start3A_150 = tpu.memref_squeeze %dma_start3A_149 : memref<1x120x128xf32, #tpu.memory_space<vmem>> -> memref<120x128xf32, #tpu.memory_space<vmem>>
      tpu.enqueue_dma source(%dma_start3A_150 : memref<120x128xf32, #tpu.memory_space<vmem>>) target(%dma_start3A_146 : memref<120x128xf32, #tpu.memory_space<hbm>>) target_semaphore(%arg12 : memref<!tpu.dma_semaphore, #tpu.memory_space<semaphore_mem>>)
    }
    %scan3A_15 = arith.constant 13 : i32
    %ge3A_16 = arith.constant 12 : i32
    %ge3A_17 = arith.cmpi sge, %add3A, %ge3A_16 : i32
    %convert_element_type3A_18 = arith.extui %ge3A_17 : i1 to i32
    %cond3A_19 = arith.constant 0 : i32
    %cond3A_20 = arith.cmpi ne, %convert_element_type3A_18, %cond3A_19 : i32
    scf.if %cond3A_20 {
      %sub3A = arith.constant 12 : i32
      %sub3A_56 = arith.subi %add3A, %sub3A : i32
      %mul3A_57 = arith.constant 8 : i32
      %mul3A_58 = arith.muli %sub3A_56, %mul3A_57 : i32
      %add3A_59 = arith.constant 99840 : i32
      %add3A_60 = arith.addi %add3A_59, %mul3A_58 : i32
      %dma_start3A_61 = arith.constant 0 : i32
      %dma_start3A_62 = arith.constant 0 : i32
      %dma_start3A_63 = tpu.memref_slice %arg5[%dma_start3A_61, %dma_start3A_62] : memref<21x128xf32, #tpu.memory_space<vmem_shared>> -> memref<21x128xf32, #tpu.memory_space<vmem_shared>>
      tpu.enqueue_indirect_dma source(%dma_start3A_63 : memref<21x128xf32, #tpu.memory_space<vmem_shared>>) target(%arg9 : memref<8x128xf32, #tpu.memory_space<vmem>>) offsets(%arg8 : memref<8xi32, #tpu.memory_space<vmem>>) semaphore(%arg10 : memref<!tpu.dma_semaphore, #tpu.memory_space<semaphore_mem>>)
      %dma_wait3A_64 = arith.constant 0 : i32
      %dma_wait3A_65 = arith.constant 0 : i32
      %dma_wait3A_66 = tpu.memref_slice %arg5[%dma_wait3A_64, %dma_wait3A_65] : memref<21x128xf32, #tpu.memory_space<vmem_shared>> -> memref<21x128xf32, #tpu.memory_space<vmem_shared>>
      tpu.wait_indirect_dma semaphore(%arg10 : memref<!tpu.dma_semaphore, #tpu.memory_space<semaphore_mem>>) src(%dma_wait3A_66 : memref<21x128xf32, #tpu.memory_space<vmem_shared>>) dst(%arg9 : memref<8x128xf32, #tpu.memory_space<vmem>>)
      %dma_start3A_67 = arith.constant 0 : i32
      %dma_start3A_68 = tpu.memref_slice %arg4[%add3A_60, %dma_start3A_67] : memref<100000x128xf32, #tpu.memory_space<hbm>> -> memref<8x128xf32, #tpu.memory_space<hbm>>
      %dma_start3A_69 = arith.constant 0 : i32
      %dma_start3A_70 = tpu.memref_slice %arg4[%add3A_60, %dma_start3A_69] : memref<100000x128xf32, #tpu.memory_space<hbm>> -> memref<8x128xf32, #tpu.memory_space<hbm>>
      tpu.enqueue_dma source(%arg9 : memref<8x128xf32, #tpu.memory_space<vmem>>) target(%dma_start3A_70 : memref<8x128xf32, #tpu.memory_space<hbm>>) target_semaphore(%arg13 : memref<!tpu.dma_semaphore, #tpu.memory_space<semaphore_mem>>)
    } else {
    }
    %add3A_21 = arith.constant 2880 : i32
    %add3A_22 = arith.addi %mul3A_2, %add3A_21 : i32
    %dma_wait3A_23 = arith.constant 0 : i32
    %dma_wait3A_24 = arith.constant 0 : i32
    %dma_wait3A_25 = arith.constant 0 : i32
    %dma_wait3A_26 = tpu.memref_slice %arg7[%dma_wait3A_23, %dma_wait3A_24, %dma_wait3A_25] : memref<2x120x128xf32, #tpu.memory_space<vmem>> -> memref<1x120x128xf32, #tpu.memory_space<vmem>>
    %dma_wait3A_27 = tpu.memref_squeeze %dma_wait3A_26 : memref<1x120x128xf32, #tpu.memory_space<vmem>> -> memref<120x128xf32, #tpu.memory_space<vmem>>
    %dma_wait3A_28 = arith.constant 0 : i32
    %dma_wait3A_29 = tpu.memref_slice %arg4[%add3A_22, %dma_wait3A_28] : memref<100000x128xf32, #tpu.memory_space<hbm>> -> memref<120x128xf32, #tpu.memory_space<hbm>>
    %dma_wait3A_30 = arith.constant 0 : i32
    %dma_wait3A_31 = tpu.memref_slice %arg4[%add3A_22, %dma_wait3A_30] : memref<100000x128xf32, #tpu.memory_space<hbm>> -> memref<120x128xf32, #tpu.memory_space<hbm>>
    %dma_wait3A_32 = arith.constant 0 : i32
    %dma_wait3A_33 = arith.constant 0 : i32
    %dma_wait3A_34 = tpu.memref_slice %arg7[%dma_wait3A_23, %dma_wait3A_32, %dma_wait3A_33] : memref<2x120x128xf32, #tpu.memory_space<vmem>> -> memref<1x120x128xf32, #tpu.memory_space<vmem>>
    %dma_wait3A_35 = tpu.memref_squeeze %dma_wait3A_34 : memref<1x120x128xf32, #tpu.memory_space<vmem>> -> memref<120x128xf32, #tpu.memory_space<vmem>>
    tpu.wait_dma2 semaphore(%arg11 : memref<!tpu.dma_semaphore, #tpu.memory_space<semaphore_mem>>) src(%dma_wait3A_35 : memref<120x128xf32, #tpu.memory_space<vmem>>) dst(%dma_wait3A_31 : memref<120x128xf32, #tpu.memory_space<hbm>>)
    %add3A_36 = arith.constant 3000 : i32
    %add3A_37 = arith.addi %mul3A_2, %add3A_36 : i32
    %dma_wait3A_38 = arith.constant 1 : i32
    %dma_wait3A_39 = arith.constant 0 : i32
    %dma_wait3A_40 = arith.constant 0 : i32
    %dma_wait3A_41 = tpu.memref_slice %arg7[%dma_wait3A_38, %dma_wait3A_39, %dma_wait3A_40] : memref<2x120x128xf32, #tpu.memory_space<vmem>> -> memref<1x120x128xf32, #tpu.memory_space<vmem>>
    %dma_wait3A_42 = tpu.memref_squeeze %dma_wait3A_41 : memref<1x120x128xf32, #tpu.memory_space<vmem>> -> memref<120x128xf32, #tpu.memory_space<vmem>>
    %dma_wait3A_43 = arith.constant 0 : i32
    %dma_wait3A_44 = tpu.memref_slice %arg4[%add3A_37, %dma_wait3A_43] : memref<100000x128xf32, #tpu.memory_space<hbm>> -> memref<120x128xf32, #tpu.memory_space<hbm>>
    %dma_wait3A_45 = arith.constant 0 : i32
    %dma_wait3A_46 = tpu.memref_slice %arg4[%add3A_37, %dma_wait3A_45] : memref<100000x128xf32, #tpu.memory_space<hbm>> -> memref<120x128xf32, #tpu.memory_space<hbm>>
    %dma_wait3A_47 = arith.constant 0 : i32
    %dma_wait3A_48 = arith.constant 0 : i32
    %dma_wait3A_49 = tpu.memref_slice %arg7[%dma_wait3A_38, %dma_wait3A_47, %dma_wait3A_48] : memref<2x120x128xf32, #tpu.memory_space<vmem>> -> memref<1x120x128xf32, #tpu.memory_space<vmem>>
    %dma_wait3A_50 = tpu.memref_squeeze %dma_wait3A_49 : memref<1x120x128xf32, #tpu.memory_space<vmem>> -> memref<120x128xf32, #tpu.memory_space<vmem>>
    tpu.wait_dma2 semaphore(%arg12 : memref<!tpu.dma_semaphore, #tpu.memory_space<semaphore_mem>>) src(%dma_wait3A_50 : memref<120x128xf32, #tpu.memory_space<vmem>>) dst(%dma_wait3A_46 : memref<120x128xf32, #tpu.memory_space<hbm>>)
    %ge3A_51 = arith.constant 12 : i32
    %ge3A_52 = arith.cmpi sge, %add3A, %ge3A_51 : i32
    %convert_element_type3A_53 = arith.extui %ge3A_52 : i1 to i32
    %cond3A_54 = arith.constant 0 : i32
    %cond3A_55 = arith.cmpi ne, %convert_element_type3A_53, %cond3A_54 : i32
    scf.if %cond3A_55 {
      %sub3A = arith.constant 12 : i32
      %sub3A_56 = arith.subi %add3A, %sub3A : i32
      %mul3A_57 = arith.constant 8 : i32
      %mul3A_58 = arith.muli %sub3A_56, %mul3A_57 : i32
      %add3A_59 = arith.constant 99840 : i32
      %add3A_60 = arith.addi %add3A_59, %mul3A_58 : i32
      %dma_wait3A_61 = arith.constant 0 : i32
      %dma_wait3A_62 = tpu.memref_slice %arg4[%add3A_60, %dma_wait3A_61] : memref<100000x128xf32, #tpu.memory_space<hbm>> -> memref<8x128xf32, #tpu.memory_space<hbm>>
      %dma_wait3A_63 = arith.constant 0 : i32
      %dma_wait3A_64 = tpu.memref_slice %arg4[%add3A_60, %dma_wait3A_63] : memref<100000x128xf32, #tpu.memory_space<hbm>> -> memref<8x128xf32, #tpu.memory_space<hbm>>
      tpu.wait_dma2 semaphore(%arg13 : memref<!tpu.dma_semaphore, #tpu.memory_space<semaphore_mem>>) src(%arg9 : memref<8x128xf32, #tpu.memory_space<vmem>>) dst(%dma_wait3A_64 : memref<8x128xf32, #tpu.memory_space<hbm>>)
    } else {
    }
    return
  }
}

</mosaic_0001>

<sc_bundles>
// kernel: kernel.3.cloned.1.call-start
scs
__scs_entry_jumppad:
0x0: {  	(pc) =	sbr.rel $0x88, $3  }
0x1: {  	(tag) =	ssettag $0x0;
	lr =	simm.s32 $0x1  }
0x2: {  	[smem:$0x3F9F] =	sst lr;
	_ =	strace $0xD0000000  }
0x3: {  	_ = 	snop  }
0x4: {  	_ = 	snop  }
0x5: {  	_ = 	snop  }
0x6: {  	_ = 	snop  }
0x7: {  	_ = 	snop  }
__scs_overlays_trampoline_lowered:
0x8: {  	[smem:$0x3FAE] =	sst s0  }
0x9: {  	[smem:$0x3FAF] =	sst s1  }
0xa: {  	[smem:$0x3FB0] =	sst s2  }
0xb: {  	[smem:$0x3FB1] =	sst s3  }
0xc: {  	[smem:$0x3FB2] =	sst s4  }
0xd: {  	[smem:$0x3FB3] =	sst s5  }
0xe: {  	[smem:$0x3FB4] =	sst s6  }
0xf: {  	[smem:$0x3FB5] =	sst s7  }
0x10: {  	[smem:$0x3FB6] =	sst s8  }
0x11: {  	[smem:$0x3FB7] =	sst s9;
	s0 =	simm.s32 @!p0 $0x0  }
0x12: {  	s1 =	sld [smem:$0x3F9D];
	s0 =	simm.s32 @p0 $0x1  }
0x13: {  	[smem:$0x3FB8] =	sst s0;
	s0 =	simm.s32 @!p1 $0x0  }
0x14: {  	s2 =	sld [smem:$0x3F9C];
	s0 =	simm.s32 @p1 $0x1  }
0x15: {  	[smem:$0x3FB9] =	sst s0;
	s0 =	simm.s32 @!p2 $0x0  }
0x16: {  	s3 =	sld [smem:$0x3FDB];
	s0 =	simm.s32 @p2 $0x1  }
0x17: {  	s4 =	simm.s32 $0x1BF5;
	[smem:$0x3FBB] =	sst s0  }
0x18: {  	s0 =	sld [smem:$0x3F9E];
	_ =	swait.ge [sflag:s4], $0x0  }
0x19: {  	s7 =	sld [smem:$0x3F9F]  }
0x1a: {  	s8 =	sadd.s32 $0xFFFFE003, lr  }
0x1b: {  	s9 =	sadd.s32 $0xFFFFFEF7, lr;
	s5 =	simm.s32 $0xFFFFFFFF;
	p2 =	slt.u32 s8, $0xFFFFF086  }
0x1c: {  	p1 =	slt.u32 s9, $0xF7A;
	s5 =	simm.s32 @!p2 $0x0  }
0x1d: {  	s5 =	simm.s32 @p1 $0x1;
	p0 =	seq.s32 s7, s2  }
0x1e: {  	s7 =	smul.u32 @!p0 $0xF7A, s2;
	p2 =	seq.s32 @!p0 s5, $0x0  }
0x1f: {  	s9 =	smul.u32 $0xF7A, s1;
	s8 =	simm.s32 @!p0 $0x1BF5;
	p2 =	por !p2, p0  }
0x20: {  	[sflag:s8] =	ssyncset.s32 @!p0 $0xFFFFF086;
	s6 =	sadd.s32 @!p0 s3, s7;
	s7 =	simm.s32 @!p0 $0x108  }
0x21: {  	s3 =	sadd.s32 s3, s9;
	s6 =	sadd.s32 @!p0 $0x88, s6;
	s7 =	simm.s32 @p2 $0x1082  }
0x22: {  	[simem:s7], [sflag:s8] =	dma.local @!p0 [hbm:s6], $0xF7A  }
0x23: {  	s9 =	sor.u32 $0xD0000000, s2;
	s6 =	simm.s32 $0x108;
	_ =	swait.ge @!p0 [sflag:s8], $0x0  }
0x24: {  	s3 =	sadd.s32 $0x88, s3;
	s6 =	simm.s32 @!p1 $0x1082;
	[sflag:s4] =	ssyncset.s32 $0xFFFFF086  }
0x25: {  	[simem:s6], [sflag:s4] =	dma.local [hbm:s3], $0xF7A  }
0x26: {  	[smem:$0x3F9F] =	sst s1;
	(tag) =	ssettag s2;
	_ =	strace s9  }
0x27: {  	s1 =	sld [smem:$0x3FAF]  }
0x28: {  	s2 =	sld [smem:$0x3FB0]  }
0x29: {  	s4 =	sld [smem:$0x3FB2]  }
0x2a: {  	p0 =	seq.s32 s5, $0x0;
	s5 =	sld [smem:$0x3FB3]  }
0x2b: {  	s6 =	sld [smem:$0x3FB4]  }
0x2c: {  	s7 =	sld [smem:$0x3FB5]  }
0x2d: {  	s3 =	simm.s32 $0x108;
	s8 =	sld [smem:$0x3FB6]  }
0x2e: {  	s3 =	simm.s32 @!p0 $0x1082;
	s9 =	sld [smem:$0x3FB7]  }
0x2f: {  	lr =	sadd.s32 s0, s3;
	s0 =	sld [smem:$0x3FAE]  }
0x30: {  	s3 =	sld [smem:$0x3FB1]  }
0x31: {  	[smem:$0x3FBA] =	sst s10  }
0x32: {  	s10 =	sld [smem:$0x3FB8];
	_ =	sdelay $0x3  }
0x33: {  	p0 =	seq.s32 s10, $0x1;
	s10 =	sld [smem:$0x3FBA];
	_ =	sdelay $0x3  }
0x34: {  	[smem:$0x3FBA] =	sst s10  }
0x35: {  	s10 =	sld [smem:$0x3FB9];
	_ =	sdelay $0x3  }
0x36: {  	p1 =	seq.s32 s10, $0x1;
	s10 =	sld [smem:$0x3FBA];
	_ =	sdelay $0x3  }
0x37: {  	[smem:$0x3FBA] =	sst s10  }
0x38: {  	s10 =	sld [smem:$0x3FBB]  }
0x39: {  	_ = 	snop;
	(pc) =	sbr.ind lr, $3  }
0x3a: {  	_ = 	snop  }
0x3b: {  	_ = 	snop  }
0x3c: {  	p2 =	seq.s32 s10, $0x1;
	s10 =	sld [smem:$0x3FBA]  }
0x3d: {  	_ =	shalt  }
0x3e: {  	_ =	shalt  }
0x3f: {  	_ =	shalt  }
0x40: {  	_ =	shalt  }
0x41: {  	_ =	shalt  }
0x42: {  	_ =	shalt  }
0x43: {  	_ =	shalt  }
0x44: {  	_ =	shalt  }
0x45: {  	_ =	shalt  }
0x46: {  	_ =	shalt  }
0x47: {  	_ =	shalt  }
0x48: {  	_ =	shalt  }
0x49: {  	_ =	shalt  }
0x4a: {  	_ =	shalt  }
0x4b: {  	_ =	shalt  }
0x4c: {  	_ =	shalt  }
0x4d: {  	_ =	shalt  }
0x4e: {  	_ =	shalt  }
0x4f: {  	_ =	shalt  }
0x50: {  	_ =	shalt  }
0x51: {  	_ =	shalt  }
0x52: {  	_ =	shalt  }
0x53: {  	_ =	shalt  }
0x54: {  	_ =	shalt  }
0x55: {  	_ =	shalt  }
0x56: {  	_ =	shalt  }
0x57: {  	_ =	shalt  }
0x58: {  	_ =	shalt  }
0x59: {  	_ =	shalt  }
0x5a: {  	_ =	shalt  }
0x5b: {  	_ =	shalt  }
0x5c: {  	_ =	shalt  }
0x5d: {  	_ =	shalt  }
0x5e: {  	_ =	shalt  }
0x5f: {  	_ =	shalt  }
0x60: {  	_ =	shalt  }
0x61: {  	_ =	shalt  }
0x62: {  	_ =	shalt  }
0x63: {  	_ =	shalt  }
0x64: {  	_ =	shalt  }
0x65: {  	_ =	shalt  }
0x66: {  	_ =	shalt  }
0x67: {  	_ =	shalt  }
0x68: {  	_ =	shalt  }
0x69: {  	_ =	shalt  }
0x6a: {  	_ =	shalt  }
0x6b: {  	_ =	shalt  }
0x6c: {  	_ =	shalt  }
0x6d: {  	_ =	shalt  }
0x6e: {  	_ =	shalt  }
0x6f: {  	_ =	shalt  }
0x70: {  	_ =	shalt  }
0x71: {  	_ =	shalt  }
0x72: {  	_ =	shalt  }
0x73: {  	_ =	shalt  }
0x74: {  	_ =	shalt  }
0x75: {  	_ =	shalt  }
0x76: {  	_ =	shalt  }
0x77: {  	_ =	shalt  }
0x78: {  	_ =	shalt  }
0x79: {  	_ =	shalt  }
0x7a: {  	_ =	shalt  }
0x7b: {  	_ =	shalt  }
0x7c: {  	_ =	shalt  }
0x7d: {  	_ =	shalt  }
0x7e: {  	_ =	shalt  }
0x7f: {  	_ =	shalt  }
0x80: {  	_ =	shalt  }
0x81: {  	_ =	shalt  }
0x82: {  	_ =	shalt  }
0x83: {  	_ =	shalt  }
0x84: {  	_ =	shalt  }
0x85: {  	_ =	shalt  }
0x86: {  	_ =	shalt  }
0x87: {  	_ =	shalt  }
.Lfunc_end0:
.L_simem_size_0:
called_computation_lowered:
.L_overlay_start_0:
0x88: {  	s2 =	sld [smem:$0x3FD9]  }
0x89: {  	s3 =	sld [smem:$0x3FFE];
	_ =	sdelay $0x1  }
0x8a: {  	s1 =	srdreg.scid  }
0x8b: {  	s0 =	sand.u32 $0x1, s1  }
0x8c: {  	s18 =	sshll.u32 s0, $0xA;
	s2 =	sadd.s32 s3, s2  }
0x8d: {  	s2 =	sadd.s32 s2, s18  }
0x8e: {  	[smem:$0x3FC6] =	sst s2  }
0x8f: {  	_ = 	snop  }
0x90: {  	s2 =	sld [smem:$0x3FC9]  }
0x91: {  	s19 =	sld [smem:$0x3FC8]  }
0x92: {  	s4 =	sld [smem:$0x3FD0];
	(tm) =	ssettm $0x1  }
0x93: {  	s5 =	sld [smem:$0x3FFB];
	_ =	sdelay $0x3  }
0x94: {  	_ =	strace s5  }
0x95: {  	s5 =	sld [smem:$0x3FFC];
	_ =	sdelay $0x3  }
0x96: {  	_ =	strace s5  }
0x97: {  	s5 =	sld [smem:$0x3FFD];
	_ =	sdelay $0x3  }
0x98: {  	_ =	strace s5  }
0x99: {  	_ =	strace $0x8FFFFFFF  }
0x9a: {  	s20 =	sld [smem:$0x3FDB];
	_ =	sdelay $0x1  }
0x9b: {  	s6 =	simm.s32 $_scs_section_size  }
0x9c: {  	s7 =	simm.s32 $_size__tile_overlayer_lowered;
	s8 =	simm.s32 $_tile_overlayer_lowered  }
0x9d: {  	s23 =	simm.s32 $0x1BFF;
	s22 =	sshll.u32 s8, $0x1;
	s5 =	sadd.s32 s6, s20  }
0x9e: {  	s9 =	simm.s32 $0x0;
	s21 =	sshll.u32 s7, $0x1;
	s7 =	sadd.s32 s22, s5  }
0x9f: {  	[timem:s9], [sflag:s23] =	dma.local [hbm:s7], s21  }
0xa0: {  	_ =	swait.ge [sflag:s23], s21  }
0xa1: {  	s6 =	ssub.s32 $0x0, s21;
	[sflag:s23] =	ssyncset.done $0x0  }
0xa2: {  	[sflag:s23] =	ssyncadd.s32 s6;
	_ =	sdelay $0x1  }
0xa3: {  	s24 =	simm.s32 $0x1B8B  }
0xa4: {  	_ =	swait.ge [sflag:s24], $0x1  }
0xa5: {  	[sflag:s24] =	ssyncset.done $0x0  }
0xa6: {  	s25 =	simm.s32 $0x1B8E;
	[sflag:s24] =	ssyncadd.s32 $0xFFFFFFFF  }
0xa7: {  	s26 =	simm.s32 $execute0_lowered;
	[smem:$0x3FD2] =	sst s25  }
0xa8: {  	s6 =	sshll.u32 s26, $0x1;
	_ =	strace $0x80000046;
	[dreg:$0x1] =	wrdreg $0xFFFFFFFF  }
0xa9: {  	s28 =	simm.s32 $_size_execute0_lowered;
	s5 =	sadd.s32 s5, s6;
	[dreg:$0x0] =	wrdreg $0x0  }
0xaa: {  	s6 =	sshll.u32 s28, $0x1;
	[dreg:$0x2] =	wrdreg s5  }
0xab: {  	[dreg:$0x3] =	wrdreg s6  }
0xac: {  	[dreg:$0x4] =	wrdreg $0xC0  }
0xad: {  	_ =	task [dreg:s9], $0x5FFFF  }
0xae: {  	[dreg:$0x1] =	wrdreg $0xFFFFFFFF  }
0xaf: {  	[dreg:$0x0] =	wrdreg $0x60  }
0xb0: {  	[dreg:$0x2] =	wrdreg s2  }
0xb1: {  	[dreg:$0x3] =	wrdreg s19  }
0xb2: {  	[dreg:$0x4] =	wrdreg s4  }
0xb3: {  	[dreg:$0x5] =	wrdreg $0x0  }
0xb4: {  	[dreg:$0x6] =	wrdreg $0x9  }
0xb5: {  	_ =	task.clear_ibuf [dreg:s9], $0x7FFFF;
	_ =	strace $0x90000046  }
0xb6: {  	s29 =	simm.s32 $0x9;
	_ =	strace $0x80000048  }
0xb7: {  	_ =	swait.ge [sflag:s29], $0x1  }
0xb8: {  	[sflag:s29] =	ssyncadd.s32 $0xFFFFFFFF  }
0xb9: {  	_ =	strace $0x90000048  }
0xba: {  	_ =	sfence  }
0xbb: {  	s30 =	sld [smem:$0x0];
	_ =	sdelay $0x2  }
0xbc: {  	s31 =	sshll.u32 s1, $0xD;
	s1 =	sshrl.u32 s1, $0x2  }
0xbd: {  	s3 =	sand.u32 $0x4000, s31;
	s1 =	sadd.s32 s1, s30  }
0xbe: {  	s0 =	sor.u32 s3, s0;
	s1 =	sshll.u32 s1, $0x11  }
0xbf: {  	s0 =	sor.u32 s1, s0  }
0xc0: {  	s0 =	sadd.s32 $0x8F2B, s0  }
0xc1: {  	[sflag:s0] =	ssyncadd.remote.s32 $0x1  }
0xc2: {  	_ =	sfence.sel $0xFFFF  }
0xc3: {  	[dreg:$0x0] =	wrdreg $0xFFFFFFFF;
	(pc) =	sbr.abs _section_cstart, $3  }
0xc4: {  	[dreg:$0x1] =	wrdreg $0xFFFFFFFF  }
0xc5: {  	_ =	task.clear_ibuf [dreg:s9], $0x2FFFF;
	_ =	strace $0x9FFFFFFF  }
0xc6: {  	(tm) =	ssettm $0x7FFFFFFF  }
0xc7: {  	_ =	shalt  }
tec
execute0_lowered:
.L_overlay_start_1:
0x0: {  	(tag) =	ssettag $0x1  }
0x1: {  	s5 =	rddreg [dreg:$0x0]  }
0x2: {  	s0 =	rddreg [dreg:$0x1]  }
0x3: {  	s9 =	rddreg [dreg:$0x2];
	s1 =	srdreg.scid  }
0x4: {  	s12 =	stileid.u32;
	s2 =	rddreg [dreg:$0x3]  }
0x5: {  	s15 =	simm.s32 $0xD28;
	s16 =	simm.s32 $0x1;
	s17 =	simm.s32 $0x120  }
0x6: {  	s18 =	simm.s32 $0x4928;
	s19 =	simm.s32 $0x2;
	s20 =	simm.s32 $0x3  }
0x7: {  	s21 =	simm.s32 $0x0;
	s7 =	sand.u32 $0x1, s1;
	s3 =	sshll.u32 s12, $0x1  }
0x8: {  	s1 =	rddreg [dreg:$0x4];
	s13 =	smul.u32 $0x18600, s12;
	p0 =	sne.s32 s12, $0x0  }
0x9: {  	p1 =	slt.u32 s12, $0x6;
	s12 =	simm.s32 $0xA8;
	s6 =	sor.u32 s7, s3  }
0xa: {  	s3 =	simm.s32 $0x0;
	s4 =	ssub.s32 $0x2, s7;
	s14 =	smul.u32 $0xC300, s7  }
0xb: {  	s8 =	smul.u32 $0xC30, s6;
	[smem:$0x7FF] =	sst s3;
	s10 =	sshrl.u32 s4, $0x1  }
0xc: {  	s29 =	sshll.u32 s6, $0x7;
	s11 =	smul.u32 $0xC300, s6;
	s31 =	sadd.s32 s13, s9  }
0xd: {  	s13 =	simm.s32 $0x4;
	_ =	strace $0x80000047;
	s10 =	ssub.s32 s4, s10  }
0xe: {  	s30 =	sadd.s32 s29, s9;
	s28 =	sshrl.u32 s8, $0x3;
	s7 =	smax.u32 s10, $0x1  }
0xf: {  	s8 =	sadd.s32 s9, s11;
	s10 =	sadd.s32 s14, s31;
	s11 =	sshrl.u32 @!p0 s2, $0x3  }
0x10: {  	s14 =	simm.s32 $0x78;
	s4 =	sadd.s32 s5, s28;
	s5 =	sadd.s32 s6, s5  }
0x11: {  	s6 =	sadd.s32 $0x185A00, s30;
	s9 =	sadd.s32 $0x780, s8;
	s5 =	sadd.s32 $0x30B4, s5  }
.LBB2_1:
0x12: {  	s22 =	simm.s32 @!p0 $0x1C05  }
0x13: {  	[spmem:s11], [sflag:s22] =	dma.local @!p0 [hbm:s0], $0x150  }
0x14: {  	s22 =	simm.s32 @!p0 $0x5  }
0x15: {  	_ =	swait.ge @!p0 [sflag:s22], $0x150  }
0x16: {  	[sflag:s22] =	ssyncset.done @!p0 $0x0  }
0x17: {  	[sflag:s22] =	ssyncadd.s32 @!p0 $0xFFFFFEB0  }
0x18: {  	[tilespmem:s12], [sflag:$0x4] =	stream.linear.gather [hbm4b:s4+s3], $0xC30, $0x38;
	[tilespmem:$0x89A8] =	vst v63  }
0x19: {  	s23 =	simm.s32 @!p1 $0x8528;
	s22 =	simm.s32 @!p1 $0x0  }
0x1a: {  	[tilespmem:s23], [sflag:$0x5] =	stream.linear.gather @!p1 [hbm4b:s5+s22], $0x8, $0x38;
	[tilespmem:$0x89A8] =	vst v63  }
0x1b: {  	s22 =	simm.s32 @!p1 $0x5  }
0x1c: {  	_ =	swait.ge @!p1 [sflag:s22], $0x8  }
0x1d: {  	[sflag:s22] =	ssyncset.done @!p1 $0x0  }
0x1e: {  	[sflag:s22] =	ssyncadd.s32 @!p1 $0xFFFFFFF8  }
0x1f: {  	[bflag:$0x0] =	sbarrier.arrive $0xFFFF  }
0x20: {  	_ =	swait.ge [sflag:s13], $0xC30  }
0x21: {  	[sflag:s13] =	ssyncset.done $0x0  }
0x22: {  	[sflag:s13] =	ssyncadd.s32 $0xFFFFF3D0  }
0x23: {  	[tilespmem:s15], [sflag:$0x1] =	stream.indirect.gather [spmem:s2], $0x80, s12, s14, $0xb8;
	[tilespmem:$0x89A8] =	vst v63  }
0x24: {  	_ =	swait.ge [sflag:s16], $0x3C00  }
0x25: {  	[sflag:s16] =	ssyncset.done $0x0  }
0x26: {  	[sflag:s16] =	ssyncadd.s32 $0xFFFFC400  }
0x27: {  	[hbm4b:s8+s3] =	stream.linear.scatter [tilespmem:s15], [sflag:$0x2], $0x3C00, $0x38;
	[tilespmem:$0x89A8] =	vst v63  }
0x28: {  	_ = 	snop  }
0x29: {  	[tilespmem:s18], [sflag:$0x1] =	stream.indirect.gather [spmem:s2], $0x80, s17, s14, $0xb8;
	[tilespmem:$0x89A8] =	vst v63  }
0x2a: {  	_ =	swait.ge [sflag:s16], $0x3C00  }
0x2b: {  	[sflag:s16] =	ssyncset.done $0x0  }
0x2c: {  	[sflag:s16] =	ssyncadd.s32 $0xFFFFC400  }
0x2d: {  	[hbm4b:s9+s3] =	stream.linear.scatter [tilespmem:s18], [sflag:$0x3], $0x3C00, $0x38;
	[tilespmem:$0x89A8] =	vst v63  }
0x2e: {  	_ =	swait.ge [sflag:s19], $0x3C00  }
0x2f: {  	[sflag:s19] =	ssyncset.done $0x0  }
0x30: {  	s28 =	simm.s32 $0x198;
	[sflag:s19] =	ssyncadd.s32 $0xFFFFC400  }
0x31: {  	[tilespmem:s15], [sflag:$0x1] =	stream.indirect.gather [spmem:s2], $0x80, s28, s14, $0xb8;
	[tilespmem:$0x89A8] =	vst v63  }
0x32: {  	_ =	swait.ge [sflag:s16], $0x3C00  }
0x33: {  	s29 =	sadd.s32 $0x0, s10;
	[sflag:s16] =	ssyncset.done $0x0  }
0x34: {  	s30 =	sadd.s32 $0xF00, s29;
	[sflag:s16] =	ssyncadd.s32 $0xFFFFC400  }
0x35: {  	[hbm4b:s30+s3] =	stream.linear.scatter [tilespmem:s15], [sflag:$0x2], $0x3C00, $0x38;
	[tilespmem:$0x89A8] =	vst v63  }
0x36: {  	_ =	swait.ge [sflag:s20], $0x3C00  }
0x37: {  	[sflag:s20] =	ssyncset.done $0x0  }
0x38: {  	s31 =	simm.s32 $0x210;
	[sflag:s20] =	ssyncadd.s32 $0xFFFFC400  }
0x39: {  	[tilespmem:s18], [sflag:$0x1] =	stream.indirect.gather [spmem:s2], $0x80, s31, s14, $0xb8;
	[tilespmem:$0x89A8] =	vst v63  }
0x3a: {  	_ =	swait.ge [sflag:s16], $0x3C00  }
0x3b: {  	s24 =	sadd.s32 $0x1680, s29;
	[sflag:s16] =	ssyncset.done $0x0  }
0x3c: {  	s23 =	simm.s32 $0x300;
	s22 =	simm.s32 $0xF00;
	[sflag:s16] =	ssyncadd.s32 $0xFFFFC400  }
.LBB2_2:
0x3d: {  	[hbm4b:s24+s3] =	stream.linear.scatter [tilespmem:s18], [sflag:$0x3], $0x3C00, $0x38;
	[tilespmem:$0x89A8] =	vst v63  }
0x3e: {  	s24 =	smov.u32 s22  }
0x3f: {  	p2 =	sne.s32 s22, $0xA500;
	s22 =	sadd.s32 $0xF00, s22;
	_ =	swait.ge [sflag:s19], $0x3C00  }
0x40: {  	[sflag:s19] =	ssyncset.done $0x0  }
0x41: {  	s25 =	sadd.s32 $0xFFFFFF88, s23;
	[sflag:s19] =	ssyncadd.s32 $0xFFFFC400  }
0x42: {  	[tilespmem:s15], [sflag:$0x1] =	stream.indirect.gather [spmem:s2], $0x80, s25, s14, $0xb8;
	[tilespmem:$0x89A8] =	vst v63  }
0x43: {  	_ =	swait.ge [sflag:s16], $0x3C00  }
0x44: {  	s24 =	sadd.s32 s24, s10;
	[sflag:s16] =	ssyncset.done $0x0  }
0x45: {  	s25 =	sadd.s32 $0xF00, s24;
	[sflag:s16] =	ssyncadd.s32 $0xFFFFC400  }
0x46: {  	[hbm4b:s25+s3] =	stream.linear.scatter [tilespmem:s15], [sflag:$0x2], $0x3C00, $0x38;
	[tilespmem:$0x89A8] =	vst v63  }
0x47: {  	_ =	swait.ge [sflag:s20], $0x3C00  }
0x48: {  	[sflag:s20] =	ssyncset.done $0x0  }
.Ltmp0:
0x49: {  	[sflag:s20] =	ssyncadd.s32 $0xFFFFC400;
	(pc) =	sbr.rel @p2 .LBB2_2-.Ltmp0, $4  }
0x4a: {  	[tilespmem:s18], [sflag:$0x1] =	stream.indirect.gather [spmem:s2], $0x80, s23, s14, $0xb8;
	[tilespmem:$0x89A8] =	vst v63  }
0x4b: {  	_ =	swait.ge [sflag:s16], $0x3C00  }
0x4c: {  	[sflag:s16] =	ssyncset.done $0x0  }
0x4d: {  	s24 =	sadd.s32 $0x1680, s24;
	s23 =	sadd.s32 $0xF0, s23;
	[sflag:s16] =	ssyncadd.s32 $0xFFFFC400  }
0x4e: {  	[hbm4b:s24+s3] =	stream.linear.scatter [tilespmem:s18], [sflag:$0x3], $0x3C00, $0x38;
	[tilespmem:$0x89A8] =	vst v63  }
0x4f: {  	s22 =	simm.s32 @p1 $0x2  }
0x50: {  	_ =	swait.ge @p1 [sflag:s22], $0x3C00  }
0x51: {  	[sflag:s22] =	ssyncset.done @p1 $0x0  }
0x52: {  	[sflag:s22] =	ssyncadd.s32 @p1 $0xFFFFC400;
	s22 =	simm.s32 @p1 $0x3  }
0x53: {  	_ =	swait.ge @p1 [sflag:s22], $0x3C00  }
0x54: {  	s23 =	simm.s32 @!p1 $0x8528;
	[sflag:s22] =	ssyncset.done @p1 $0x0  }
0x55: {  	s24 =	simm.s32 @!p1 $0x85A8;
	[sflag:s22] =	ssyncadd.s32 @p1 $0xFFFFC400;
	s22 =	simm.s32 @!p1 $0x8  }
0x56: {  	[tilespmem:s24], [sflag:$0x1] =	stream.indirect.gather @!p1 [spmem:s2], $0x80, s23, s22, $0xb8;
	[tilespmem:$0x89A8] =	vst v63  }
0x57: {  	s22 =	simm.s32 @!p1 $0x1  }
0x58: {  	_ =	swait.ge @!p1 [sflag:s22], $0x400  }
0x59: {  	[sflag:s22] =	ssyncset.done @!p1 $0x0  }
0x5a: {  	[sflag:s22] =	ssyncadd.s32 @!p1 $0xFFFFFC00;
	s22 =	simm.s32 @!p1 $0x0  }
0x5b: {  	[hbm4b:s6+s22] =	stream.linear.scatter @!p1 [tilespmem:s24], [sflag:$0x4], $0x400, $0x38;
	[tilespmem:$0x89A8] =	vst v63  }
0x5c: {  	s22 =	simm.s32 @!p1 $0x2  }
0x5d: {  	_ =	swait.ge @!p1 [sflag:s22], $0x3C00  }
0x5e: {  	[sflag:s22] =	ssyncset.done @!p1 $0x0  }
0x5f: {  	s21 =	sadd.s32 $0x1, s21;
	[sflag:s22] =	ssyncadd.s32 @!p1 $0xFFFFC400;
	s22 =	simm.s32 @!p1 $0x3  }
0x60: {  	p2 =	sne.s32 s21, s7;
	_ =	swait.ge @!p1 [sflag:s22], $0x3C00  }
.Ltmp1:
0x61: {  	[sflag:s22] =	ssyncset.done @!p1 $0x0;
	(pc) =	sbr.rel @p2 .LBB2_1-.Ltmp1, $4  }
0x62: {  	[sflag:s22] =	ssyncadd.s32 @!p1 $0xFFFFC400;
	s22 =	simm.s32 @!p1 $0x4  }
0x63: {  	_ =	swait.ge @!p1 [sflag:s22], $0x400  }
0x64: {  	[sflag:s22] =	ssyncset.done @!p1 $0x0  }
0x65: {  	[sflag:s22] =	ssyncadd.s32 @!p1 $0xFFFFFC00  }
0x66: {  	_ =	sfence.sel $0x180000  }
0x67: {  	[bflag:$0x0] =	sbarrier.arrive $0xFFFF  }
0x68: {  	_ =	strace $0x90000047  }
0x69: {  	s0 =	sadd.s32 @!p0 $0x100000, s1;
	[bflag:$0x2] =	sbarrier.arrive $0xFFFF  }
0x6a: {  	[sflag:s0] =	ssyncadd.tile.s32 @!p0 $0x1;
	_ =	shalt  }
.Lfunc_end2:
_tile_overlayer_lowered:
.L_overlay_start_2:
0x6b: {  	(tag) =	ssettag $0x2  }
0x6c: {  	s0 =	rddreg [dreg:$0x0];
	s2 =	stileid.u32  }
0x6d: {  	s1 =	rddreg [dreg:$0x1];
	p0 =	sne.s32 s2, $0x0  }
0x6e: {  	s3 =	rddreg [dreg:$0x2];
	[bflag:$0x3] =	sbarrier.arrive $0xFFFF;
	s2 =	simm.s32 @!p0 $0x1C05  }
0x6f: {  	[timem:s3], [sflag:s2] =	dma.local @!p0 [hbm:s0], s1  }
0x70: {  	s0 =	simm.s32 @!p0 $0x5  }
0x71: {  	_ =	swait.ge @!p0 [sflag:s0], s1  }
0x72: {  	s1 =	ssub.s32 @!p0 $0x0, s1;
	[sflag:s0] =	ssyncset.done @!p0 $0x0  }
0x73: {  	[sflag:s0] =	ssyncadd.s32 @!p0 s1  }
0x74: {  	[bflag:$0x3] =	sbarrier.arrive $0xFFFF  }
0x75: {  	_ =	shalt  }

</sc_bundles>
